<compile_context>
chip_gen: v7x
topology: tpu7x:2x2x1
jax: 0.10.2.dev20260603
libtpu: 0.0.44.dev20260713+nightly
codegen_flags: <defaults>
</compile_context>

<pallas_src>
import functools

import jax
import jax.numpy as jnp
from jax import lax
from jax.experimental import pallas as pl
from jax.experimental.pallas import tpu as pltpu
from jax.experimental.pallas import tpu_sc as plsc

BATCH = 1024
HIDDEN = 1024
MEM_VEC = 128
BIN_LEN = 7

_NC = 1
_NS = 16
_NW = _NC * _NS
_B_PER_W = BATCH // _NW


def _tc_body(x_ref, w2_ref, b2_ref, w_ref, idx_ref):
    w = lax.dot_general(
        x_ref[...], w2_ref[...],
        dimension_numbers=(((1,), (1,)), ((), ())),
        preferred_element_type=jnp.float32,
    )
    w = jnp.maximum(w + b2_ref[...], 0.0)
    w_ref[...] = w
    bits = (w > 0.5).astype(jnp.float32)
    col = lax.broadcasted_iota(jnp.int32, (1, BIN_LEN), 1)
    powers = lax.shift_left(1, BIN_LEN - 1 - col).astype(jnp.float32)
    idx_row = lax.dot_general(
        powers, bits,
        dimension_numbers=(((1,), (1,)), ((), ())),
        preferred_element_type=jnp.float32,
    )
    idx_ref[...] = jnp.reshape(idx_row.astype(jnp.int32), (_TC_BLK,))


_TC_GRID = 2
_TC_BLK = BATCH // _TC_GRID

_tc_call = pl.pallas_call(
    _tc_body,
    grid=(_TC_GRID,),
    in_specs=[
        pl.BlockSpec((_TC_BLK, HIDDEN), lambda i: (i, 0)),
        pl.BlockSpec((BIN_LEN, HIDDEN), lambda i: (0, 0)),
        pl.BlockSpec((1, BIN_LEN), lambda i: (0, 0)),
    ],
    out_specs=[
        pl.BlockSpec((_TC_BLK, BIN_LEN), lambda i: (i, 0)),
        pl.BlockSpec((_TC_BLK,), lambda i: (i,)),
    ],
    out_shape=[
        jax.ShapeDtypeStruct((BATCH, BIN_LEN), jnp.float32),
        jax.ShapeDtypeStruct((BATCH,), jnp.int32),
    ],
)


@functools.cache
def _make_sc_gather():
    mesh = plsc.VectorSubcoreMesh(
        core_axis_name="c", subcore_axis_name="s",
        num_cores=_NC, num_subcores=_NS,
    )

    @functools.partial(
        pl.kernel,
        mesh=mesh,
        out_type=jax.ShapeDtypeStruct((BATCH, MEM_VEC), jnp.float32),
        scratch_types=[
            pltpu.VMEM((_B_PER_W,), jnp.int32),
            pltpu.VMEM((_B_PER_W, MEM_VEC), jnp.float32),
            pltpu.SemaphoreType.DMA,
            pltpu.SemaphoreType.DMA,
            pltpu.SemaphoreType.DMA,
            pltpu.SemaphoreType.DMA,
            pltpu.SemaphoreType.DMA,
            pltpu.SemaphoreType.DMA,
            pltpu.SemaphoreType.DMA,
            pltpu.SemaphoreType.DMA,
        ],
    )
    def _sc_gather(idx_hbm, table_hbm, out_hbm, idx_v, rows_v, *sems):
        gsem, wsem = sems[:4], sems[4:]
        wid = lax.axis_index("s") * _NC + lax.axis_index("c")
        base = wid * _B_PER_W
        q = _B_PER_W // 4
        pltpu.sync_copy(idx_hbm.at[pl.ds(base, _B_PER_W)], idx_v)
        gathers = []
        for k in range(4):
            gathers.append(pltpu.async_copy(
                table_hbm.at[idx_v.at[pl.ds(k * q, q)]],
                rows_v.at[pl.ds(k * q, q)], gsem[k]
            ))
        writes = []
        for k in range(4):
            gathers[k].wait()
            writes.append(pltpu.async_copy(
                rows_v.at[pl.ds(k * q, q)],
                out_hbm.at[pl.ds(base + k * q, q)], wsem[k]
            ))
        for wcp in writes:
            wcp.wait()

    return _sc_gather


def kernel(x, previous_state, W2, b2, memory):
    w, idx = _tc_call(x, W2, b2.reshape(1, BIN_LEN))
    memory_read = _make_sc_gather()(idx, memory)
    return memory_read, w

# --- scband reference (transcript-rebuilt; emitter-appended) ---
"""Pipeline reference for scband-read-head-60911226192209 (READ-ONLY COPY).

The authoritative reference and input builder live on the scoring server;
editing this copy changes nothing except your own understanding.
"""

import jax, jax.numpy as jnp
import numpy as np

MEM_LEN = 100000
MEM_VEC = 128
HIDDEN = 1024
BATCH = 1024
BIN_LEN = len(bin(MEM_VEC)[3:])  # = 7 for MEM_VEC=128


def setup_inputs(seed: int = 0) -> dict:
    key = jax.random.key(seed)
    k1, k2, k3, k4, k5 = jax.random.split(key, 5)
    x = jax.random.normal(k1, (BATCH, HIDDEN), dtype=jnp.float32)
    previous_state = jax.random.uniform(k2, (BATCH, MEM_LEN), dtype=jnp.float32)
    previous_state = previous_state / jnp.sum(previous_state, axis=1, keepdims=True)
    # layer_2: xavier_uniform with gain=1.4, bias ~ N(0, 0.01)
    limit = 1.4 * float(np.sqrt(6.0 / (HIDDEN + BIN_LEN)))
    W2 = jax.random.uniform(k3, (BIN_LEN, HIDDEN), dtype=jnp.float32, minval=-limit, maxval=limit)
    b2 = 0.01 * jax.random.normal(k4, (BIN_LEN,), dtype=jnp.float32)
    # content-addressable memory modeled as a dense table read by integer key
    memory = jax.random.normal(k5, (MEM_LEN, MEM_VEC), dtype=jnp.float32)
    return {"x": x, "previous_state": previous_state, "W2": W2, "b2": b2, "memory": memory}


def reference(x, previous_state, W2, b2, memory):
    # w = relu(layer_2(x))
    w = jax.nn.relu(x @ W2.T + b2)
    # out = (w > 0.5).float(); key = binary string per row
    out = (w > 0.5).astype(jnp.float32)
    # interpret the binary string as an integer address into memory (hash read)
    powers = (2 ** jnp.arange(BIN_LEN - 1, -1, -1)).astype(jnp.int32)
    idx = jnp.sum(out.astype(jnp.int32) * powers, axis=1) % MEM_LEN
    memory_read = jnp.take(memory, idx, axis=0)
    return memory_read, w

if __name__ == "__main__":
    import jax
    _d = setup_inputs()
    print(jax.jit(kernel)(*tuple(_d.values())))

</pallas_src>

<mosaic_0001>
#map = affine_map<(d0, d1) -> (0)>
#map1 = affine_map<(d0, d1) -> (0, 0)>
module attributes {stable_mosaic.version = 14 : i64} {
  func.func @_sc_gather(%arg0: i32, %arg1: i32, %arg2: memref<1024xi32, #tpu.memory_space<hbm>>, %arg3: memref<100000x128xf32, #tpu.memory_space<hbm>>, %arg4: memref<1024x128xf32, #tpu.memory_space<hbm>>, %arg5: memref<64xi32, #tpu.memory_space<vmem>>, %arg6: memref<64x128xf32, #tpu.memory_space<vmem>>, %arg7: memref<!tpu.dma_semaphore, #tpu.memory_space<semaphore_mem>>, %arg8: memref<!tpu.dma_semaphore, #tpu.memory_space<semaphore_mem>>, %arg9: memref<!tpu.dma_semaphore, #tpu.memory_space<semaphore_mem>>, %arg10: memref<!tpu.dma_semaphore, #tpu.memory_space<semaphore_mem>>, %arg11: memref<!tpu.dma_semaphore, #tpu.memory_space<semaphore_mem>>, %arg12: memref<!tpu.dma_semaphore, #tpu.memory_space<semaphore_mem>>, %arg13: memref<!tpu.dma_semaphore, #tpu.memory_space<semaphore_mem>>, %arg14: memref<!tpu.dma_semaphore, #tpu.memory_space<semaphore_mem>>) attributes {dimension_semantics = [#tpu.dimension_semantics<core_parallel>, #tpu.dimension_semantics<subcore_parallel>], iteration_bounds = array<i64: 1, 16>, scalar_prefetch = 0 : i64, scratch_operands = 10 : i64, tpu.core_type = #tpu.core_type<sc_vector_subcore>, window_params = [{transform_indices = #map}, {transform_indices = #map1}, {transform_indices = #map1}]} {
    %mul3A = arith.constant 1 : i32
    %mul3A_0 = arith.muli %arg1, %mul3A : i32
    %add3A = arith.addi %mul3A_0, %arg0 : i32
    %mul3A_1 = arith.constant 64 : i32
    %mul3A_2 = arith.muli %add3A, %mul3A_1 : i32
    "tpu.region"() ({
      %run_scoped3A = tpu.sem_alloc : memref<!tpu.dma_semaphore, #tpu.memory_space<semaphore_mem>>
      %dma_start3A_153 = tpu.memref_slice %arg2[%mul3A_2] : memref<1024xi32, #tpu.memory_space<hbm>> -> memref<64xi32, #tpu.memory_space<hbm>>
      %dma_start3A_154 = tpu.memref_slice %arg2[%mul3A_2] : memref<1024xi32, #tpu.memory_space<hbm>> -> memref<64xi32, #tpu.memory_space<hbm>>
      tpu.enqueue_dma source(%dma_start3A_154 : memref<64xi32, #tpu.memory_space<hbm>>) target(%arg5 : memref<64xi32, #tpu.memory_space<vmem>>) target_semaphore(%run_scoped3A : memref<!tpu.dma_semaphore, #tpu.memory_space<semaphore_mem>>)
      %dma_wait3A_155 = tpu.memref_slice %arg2[%mul3A_2] : memref<1024xi32, #tpu.memory_space<hbm>> -> memref<64xi32, #tpu.memory_space<hbm>>
      %dma_wait3A_156 = tpu.memref_slice %arg2[%mul3A_2] : memref<1024xi32, #tpu.memory_space<hbm>> -> memref<64xi32, #tpu.memory_space<hbm>>
      tpu.wait_dma2 semaphore(%run_scoped3A : memref<!tpu.dma_semaphore, #tpu.memory_space<semaphore_mem>>) src(%dma_wait3A_156 : memref<64xi32, #tpu.memory_space<hbm>>) dst(%arg5 : memref<64xi32, #tpu.memory_space<vmem>>)
      tpu.yield
    }) : () -> ()
    %dma_start3A = arith.constant 0 : i32
    %dma_start3A_3 = arith.constant 0 : i32
    %dma_start3A_4 = tpu.memref_slice %arg6[%dma_start3A, %dma_start3A_3] : memref<64x128xf32, #tpu.memory_space<vmem>> -> memref<16x128xf32, #tpu.memory_space<vmem>>
    %dma_start3A_5 = arith.constant 0 : i32
    %dma_start3A_6 = tpu.memref_slice %arg5[%dma_start3A_5] : memref<64xi32, #tpu.memory_space<vmem>> -> memref<16xi32, #tpu.memory_space<vmem>>
    %dma_start3A_7 = arith.constant 0 : i32
    %dma_start3A_8 = arith.constant 0 : i32
    %dma_start3A_9 = tpu.memref_slice %arg3[%dma_start3A_7, %dma_start3A_8] : memref<100000x128xf32, #tpu.memory_space<hbm>> -> memref<100000x128xf32, #tpu.memory_space<hbm>>
    tpu.enqueue_indirect_dma source(%dma_start3A_9 : memref<100000x128xf32, #tpu.memory_space<hbm>>) target(%dma_start3A_4 : memref<16x128xf32, #tpu.memory_space<vmem>>) offsets(%dma_start3A_6 : memref<16xi32, #tpu.memory_space<vmem>>) semaphore(%arg7 : memref<!tpu.dma_semaphore, #tpu.memory_space<semaphore_mem>>)
    %dma_start3A_10 = arith.constant 16 : i32
    %dma_start3A_11 = arith.constant 0 : i32
    %dma_start3A_12 = tpu.memref_slice %arg6[%dma_start3A_10, %dma_start3A_11] : memref<64x128xf32, #tpu.memory_space<vmem>> -> memref<16x128xf32, #tpu.memory_space<vmem>>
    %dma_start3A_13 = arith.constant 16 : i32
    %dma_start3A_14 = tpu.memref_slice %arg5[%dma_start3A_13] : memref<64xi32, #tpu.memory_space<vmem>> -> memref<16xi32, #tpu.memory_space<vmem>>
    %dma_start3A_15 = arith.constant 0 : i32
    %dma_start3A_16 = arith.constant 0 : i32
    %dma_start3A_17 = tpu.memref_slice %arg3[%dma_start3A_15, %dma_start3A_16] : memref<100000x128xf32, #tpu.memory_space<hbm>> -> memref<100000x128xf32, #tpu.memory_space<hbm>>
    tpu.enqueue_indirect_dma source(%dma_start3A_17 : memref<100000x128xf32, #tpu.memory_space<hbm>>) target(%dma_start3A_12 : memref<16x128xf32, #tpu.memory_space<vmem>>) offsets(%dma_start3A_14 : memref<16xi32, #tpu.memory_space<vmem>>) semaphore(%arg8 : memref<!tpu.dma_semaphore, #tpu.memory_space<semaphore_mem>>)
    %dma_start3A_18 = arith.constant 32 : i32
    %dma_start3A_19 = arith.constant 0 : i32
    %dma_start3A_20 = tpu.memref_slice %arg6[%dma_start3A_18, %dma_start3A_19] : memref<64x128xf32, #tpu.memory_space<vmem>> -> memref<16x128xf32, #tpu.memory_space<vmem>>
    %dma_start3A_21 = arith.constant 32 : i32
    %dma_start3A_22 = tpu.memref_slice %arg5[%dma_start3A_21] : memref<64xi32, #tpu.memory_space<vmem>> -> memref<16xi32, #tpu.memory_space<vmem>>
    %dma_start3A_23 = arith.constant 0 : i32
    %dma_start3A_24 = arith.constant 0 : i32
    %dma_start3A_25 = tpu.memref_slice %arg3[%dma_start3A_23, %dma_start3A_24] : memref<100000x128xf32, #tpu.memory_space<hbm>> -> memref<100000x128xf32, #tpu.memory_space<hbm>>
    tpu.enqueue_indirect_dma source(%dma_start3A_25 : memref<100000x128xf32, #tpu.memory_space<hbm>>) target(%dma_start3A_20 : memref<16x128xf32, #tpu.memory_space<vmem>>) offsets(%dma_start3A_22 : memref<16xi32, #tpu.memory_space<vmem>>) semaphore(%arg9 : memref<!tpu.dma_semaphore, #tpu.memory_space<semaphore_mem>>)
    %dma_start3A_26 = arith.constant 48 : i32
    %dma_start3A_27 = arith.constant 0 : i32
    %dma_start3A_28 = tpu.memref_slice %arg6[%dma_start3A_26, %dma_start3A_27] : memref<64x128xf32, #tpu.memory_space<vmem>> -> memref<16x128xf32, #tpu.memory_space<vmem>>
    %dma_start3A_29 = arith.constant 48 : i32
    %dma_start3A_30 = tpu.memref_slice %arg5[%dma_start3A_29] : memref<64xi32, #tpu.memory_space<vmem>> -> memref<16xi32, #tpu.memory_space<vmem>>
    %dma_start3A_31 = arith.constant 0 : i32
    %dma_start3A_32 = arith.constant 0 : i32
    %dma_start3A_33 = tpu.memref_slice %arg3[%dma_start3A_31, %dma_start3A_32] : memref<100000x128xf32, #tpu.memory_space<hbm>> -> memref<100000x128xf32, #tpu.memory_space<hbm>>
    tpu.enqueue_indirect_dma source(%dma_start3A_33 : memref<100000x128xf32, #tpu.memory_space<hbm>>) target(%dma_start3A_28 : memref<16x128xf32, #tpu.memory_space<vmem>>) offsets(%dma_start3A_30 : memref<16xi32, #tpu.memory_space<vmem>>) semaphore(%arg10 : memref<!tpu.dma_semaphore, #tpu.memory_space<semaphore_mem>>)
    %dma_wait3A = arith.constant 0 : i32
    %dma_wait3A_34 = arith.constant 0 : i32
    %dma_wait3A_35 = tpu.memref_slice %arg6[%dma_wait3A, %dma_wait3A_34] : memref<64x128xf32, #tpu.memory_space<vmem>> -> memref<16x128xf32, #tpu.memory_space<vmem>>
    %dma_wait3A_36 = arith.constant 0 : i32
    %dma_wait3A_37 = tpu.memref_slice %arg5[%dma_wait3A_36] : memref<64xi32, #tpu.memory_space<vmem>> -> memref<16xi32, #tpu.memory_space<vmem>>
    %dma_wait3A_38 = arith.constant 0 : i32
    %dma_wait3A_39 = arith.constant 0 : i32
    %dma_wait3A_40 = tpu.memref_slice %arg3[%dma_wait3A_38, %dma_wait3A_39] : memref<100000x128xf32, #tpu.memory_space<hbm>> -> memref<100000x128xf32, #tpu.memory_space<hbm>>
    tpu.wait_indirect_dma semaphore(%arg7 : memref<!tpu.dma_semaphore, #tpu.memory_space<semaphore_mem>>) src(%dma_wait3A_40 : memref<100000x128xf32, #tpu.memory_space<hbm>>) dst(%dma_wait3A_35 : memref<16x128xf32, #tpu.memory_space<vmem>>)
    %add3A_41 = arith.constant 0 : i32
    %add3A_42 = arith.addi %mul3A_2, %add3A_41 : i32
    %dma_start3A_43 = arith.constant 0 : i32
    %dma_start3A_44 = arith.constant 0 : i32
    %dma_start3A_45 = tpu.memref_slice %arg6[%dma_start3A_43, %dma_start3A_44] : memref<64x128xf32, #tpu.memory_space<vmem>> -> memref<16x128xf32, #tpu.memory_space<vmem>>
    %dma_start3A_46 = arith.constant 0 : i32
    %dma_start3A_47 = tpu.memref_slice %arg4[%add3A_42, %dma_start3A_46] : memref<1024x128xf32, #tpu.memory_space<hbm>> -> memref<16x128xf32, #tpu.memory_space<hbm>>
    %dma_start3A_48 = arith.constant 0 : i32
    %dma_start3A_49 = tpu.memref_slice %arg4[%add3A_42, %dma_start3A_48] : memref<1024x128xf32, #tpu.memory_space<hbm>> -> memref<16x128xf32, #tpu.memory_space<hbm>>
    %dma_start3A_50 = arith.constant 0 : i32
    %dma_start3A_51 = arith.constant 0 : i32
    %dma_start3A_52 = tpu.memref_slice %arg6[%dma_start3A_50, %dma_start3A_51] : memref<64x128xf32, #tpu.memory_space<vmem>> -> memref<16x128xf32, #tpu.memory_space<vmem>>
    tpu.enqueue_dma source(%dma_start3A_52 : memref<16x128xf32, #tpu.memory_space<vmem>>) target(%dma_start3A_49 : memref<16x128xf32, #tpu.memory_space<hbm>>) target_semaphore(%arg11 : memref<!tpu.dma_semaphore, #tpu.memory_space<semaphore_mem>>)
    %dma_wait3A_53 = arith.constant 16 : i32
    %dma_wait3A_54 = arith.constant 0 : i32
    %dma_wait3A_55 = tpu.memref_slice %arg6[%dma_wait3A_53, %dma_wait3A_54] : memref<64x128xf32, #tpu.memory_space<vmem>> -> memref<16x128xf32, #tpu.memory_space<vmem>>
    %dma_wait3A_56 = arith.constant 16 : i32
    %dma_wait3A_57 = tpu.memref_slice %arg5[%dma_wait3A_56] : memref<64xi32, #tpu.memory_space<vmem>> -> memref<16xi32, #tpu.memory_space<vmem>>
    %dma_wait3A_58 = arith.constant 0 : i32
    %dma_wait3A_59 = arith.constant 0 : i32
    %dma_wait3A_60 = tpu.memref_slice %arg3[%dma_wait3A_58, %dma_wait3A_59] : memref<100000x128xf32, #tpu.memory_space<hbm>> -> memref<100000x128xf32, #tpu.memory_space<hbm>>
    tpu.wait_indirect_dma semaphore(%arg8 : memref<!tpu.dma_semaphore, #tpu.memory_space<semaphore_mem>>) src(%dma_wait3A_60 : memref<100000x128xf32, #tpu.memory_space<hbm>>) dst(%dma_wait3A_55 : memref<16x128xf32, #tpu.memory_space<vmem>>)
    %add3A_61 = arith.constant 16 : i32
    %add3A_62 = arith.addi %mul3A_2, %add3A_61 : i32
    %dma_start3A_63 = arith.constant 16 : i32
    %dma_start3A_64 = arith.constant 0 : i32
    %dma_start3A_65 = tpu.memref_slice %arg6[%dma_start3A_63, %dma_start3A_64] : memref<64x128xf32, #tpu.memory_space<vmem>> -> memref<16x128xf32, #tpu.memory_space<vmem>>
    %dma_start3A_66 = arith.constant 0 : i32
    %dma_start3A_67 = tpu.memref_slice %arg4[%add3A_62, %dma_start3A_66] : memref<1024x128xf32, #tpu.memory_space<hbm>> -> memref<16x128xf32, #tpu.memory_space<hbm>>
    %dma_start3A_68 = arith.constant 0 : i32
    %dma_start3A_69 = tpu.memref_slice %arg4[%add3A_62, %dma_start3A_68] : memref<1024x128xf32, #tpu.memory_space<hbm>> -> memref<16x128xf32, #tpu.memory_space<hbm>>
    %dma_start3A_70 = arith.constant 16 : i32
    %dma_start3A_71 = arith.constant 0 : i32
    %dma_start3A_72 = tpu.memref_slice %arg6[%dma_start3A_70, %dma_start3A_71] : memref<64x128xf32, #tpu.memory_space<vmem>> -> memref<16x128xf32, #tpu.memory_space<vmem>>
    tpu.enqueue_dma source(%dma_start3A_72 : memref<16x128xf32, #tpu.memory_space<vmem>>) target(%dma_start3A_69 : memref<16x128xf32, #tpu.memory_space<hbm>>) target_semaphore(%arg12 : memref<!tpu.dma_semaphore, #tpu.memory_space<semaphore_mem>>)
    %dma_wait3A_73 = arith.constant 32 : i32
    %dma_wait3A_74 = arith.constant 0 : i32
    %dma_wait3A_75 = tpu.memref_slice %arg6[%dma_wait3A_73, %dma_wait3A_74] : memref<64x128xf32, #tpu.memory_space<vmem>> -> memref<16x128xf32, #tpu.memory_space<vmem>>
    %dma_wait3A_76 = arith.constant 32 : i32
    %dma_wait3A_77 = tpu.memref_slice %arg5[%dma_wait3A_76] : memref<64xi32, #tpu.memory_space<vmem>> -> memref<16xi32, #tpu.memory_space<vmem>>
    %dma_wait3A_78 = arith.constant 0 : i32
    %dma_wait3A_79 = arith.constant 0 : i32
    %dma_wait3A_80 = tpu.memref_slice %arg3[%dma_wait3A_78, %dma_wait3A_79] : memref<100000x128xf32, #tpu.memory_space<hbm>> -> memref<100000x128xf32, #tpu.memory_space<hbm>>
    tpu.wait_indirect_dma semaphore(%arg9 : memref<!tpu.dma_semaphore, #tpu.memory_space<semaphore_mem>>) src(%dma_wait3A_80 : memref<100000x128xf32, #tpu.memory_space<hbm>>) dst(%dma_wait3A_75 : memref<16x128xf32, #tpu.memory_space<vmem>>)
    %add3A_81 = arith.constant 32 : i32
    %add3A_82 = arith.addi %mul3A_2, %add3A_81 : i32
    %dma_start3A_83 = arith.constant 32 : i32
    %dma_start3A_84 = arith.constant 0 : i32
    %dma_start3A_85 = tpu.memref_slice %arg6[%dma_start3A_83, %dma_start3A_84] : memref<64x128xf32, #tpu.memory_space<vmem>> -> memref<16x128xf32, #tpu.memory_space<vmem>>
    %dma_start3A_86 = arith.constant 0 : i32
    %dma_start3A_87 = tpu.memref_slice %arg4[%add3A_82, %dma_start3A_86] : memref<1024x128xf32, #tpu.memory_space<hbm>> -> memref<16x128xf32, #tpu.memory_space<hbm>>
    %dma_start3A_88 = arith.constant 0 : i32
    %dma_start3A_89 = tpu.memref_slice %arg4[%add3A_82, %dma_start3A_88] : memref<1024x128xf32, #tpu.memory_space<hbm>> -> memref<16x128xf32, #tpu.memory_space<hbm>>
    %dma_start3A_90 = arith.constant 32 : i32
    %dma_start3A_91 = arith.constant 0 : i32
    %dma_start3A_92 = tpu.memref_slice %arg6[%dma_start3A_90, %dma_start3A_91] : memref<64x128xf32, #tpu.memory_space<vmem>> -> memref<16x128xf32, #tpu.memory_space<vmem>>
    tpu.enqueue_dma source(%dma_start3A_92 : memref<16x128xf32, #tpu.memory_space<vmem>>) target(%dma_start3A_89 : memref<16x128xf32, #tpu.memory_space<hbm>>) target_semaphore(%arg13 : memref<!tpu.dma_semaphore, #tpu.memory_space<semaphore_mem>>)
    %dma_wait3A_93 = arith.constant 48 : i32
    %dma_wait3A_94 = arith.constant 0 : i32
    %dma_wait3A_95 = tpu.memref_slice %arg6[%dma_wait3A_93, %dma_wait3A_94] : memref<64x128xf32, #tpu.memory_space<vmem>> -> memref<16x128xf32, #tpu.memory_space<vmem>>
    %dma_wait3A_96 = arith.constant 48 : i32
    %dma_wait3A_97 = tpu.memref_slice %arg5[%dma_wait3A_96] : memref<64xi32, #tpu.memory_space<vmem>> -> memref<16xi32, #tpu.memory_space<vmem>>
    %dma_wait3A_98 = arith.constant 0 : i32
    %dma_wait3A_99 = arith.constant 0 : i32
    %dma_wait3A_100 = tpu.memref_slice %arg3[%dma_wait3A_98, %dma_wait3A_99] : memref<100000x128xf32, #tpu.memory_space<hbm>> -> memref<100000x128xf32, #tpu.memory_space<hbm>>
    tpu.wait_indirect_dma semaphore(%arg10 : memref<!tpu.dma_semaphore, #tpu.memory_space<semaphore_mem>>) src(%dma_wait3A_100 : memref<100000x128xf32, #tpu.memory_space<hbm>>) dst(%dma_wait3A_95 : memref<16x128xf32, #tpu.memory_space<vmem>>)
    %add3A_101 = arith.constant 48 : i32
    %add3A_102 = arith.addi %mul3A_2, %add3A_101 : i32
    %dma_start3A_103 = arith.constant 48 : i32
    %dma_start3A_104 = arith.constant 0 : i32
    %dma_start3A_105 = tpu.memref_slice %arg6[%dma_start3A_103, %dma_start3A_104] : memref<64x128xf32, #tpu.memory_space<vmem>> -> memref<16x128xf32, #tpu.memory_space<vmem>>
    %dma_start3A_106 = arith.constant 0 : i32
    %dma_start3A_107 = tpu.memref_slice %arg4[%add3A_102, %dma_start3A_106] : memref<1024x128xf32, #tpu.memory_space<hbm>> -> memref<16x128xf32, #tpu.memory_space<hbm>>
    %dma_start3A_108 = arith.constant 0 : i32
    %dma_start3A_109 = tpu.memref_slice %arg4[%add3A_102, %dma_start3A_108] : memref<1024x128xf32, #tpu.memory_space<hbm>> -> memref<16x128xf32, #tpu.memory_space<hbm>>
    %dma_start3A_110 = arith.constant 48 : i32
    %dma_start3A_111 = arith.constant 0 : i32
    %dma_start3A_112 = tpu.memref_slice %arg6[%dma_start3A_110, %dma_start3A_111] : memref<64x128xf32, #tpu.memory_space<vmem>> -> memref<16x128xf32, #tpu.memory_space<vmem>>
    tpu.enqueue_dma source(%dma_start3A_112 : memref<16x128xf32, #tpu.memory_space<vmem>>) target(%dma_start3A_109 : memref<16x128xf32, #tpu.memory_space<hbm>>) target_semaphore(%arg14 : memref<!tpu.dma_semaphore, #tpu.memory_space<semaphore_mem>>)
    %dma_wait3A_113 = arith.constant 0 : i32
    %dma_wait3A_114 = arith.constant 0 : i32
    %dma_wait3A_115 = tpu.memref_slice %arg6[%dma_wait3A_113, %dma_wait3A_114] : memref<64x128xf32, #tpu.memory_space<vmem>> -> memref<16x128xf32, #tpu.memory_space<vmem>>
    %dma_wait3A_116 = arith.constant 0 : i32
    %dma_wait3A_117 = tpu.memref_slice %arg4[%add3A_42, %dma_wait3A_116] : memref<1024x128xf32, #tpu.memory_space<hbm>> -> memref<16x128xf32, #tpu.memory_space<hbm>>
    %dma_wait3A_118 = arith.constant 0 : i32
    %dma_wait3A_119 = tpu.memref_slice %arg4[%add3A_42, %dma_wait3A_118] : memref<1024x128xf32, #tpu.memory_space<hbm>> -> memref<16x128xf32, #tpu.memory_space<hbm>>
    %dma_wait3A_120 = arith.constant 0 : i32
    %dma_wait3A_121 = arith.constant 0 : i32
    %dma_wait3A_122 = tpu.memref_slice %arg6[%dma_wait3A_120, %dma_wait3A_121] : memref<64x128xf32, #tpu.memory_space<vmem>> -> memref<16x128xf32, #tpu.memory_space<vmem>>
    tpu.wait_dma2 semaphore(%arg11 : memref<!tpu.dma_semaphore, #tpu.memory_space<semaphore_mem>>) src(%dma_wait3A_122 : memref<16x128xf32, #tpu.memory_space<vmem>>) dst(%dma_wait3A_119 : memref<16x128xf32, #tpu.memory_space<hbm>>)
    %dma_wait3A_123 = arith.constant 16 : i32
    %dma_wait3A_124 = arith.constant 0 : i32
    %dma_wait3A_125 = tpu.memref_slice %arg6[%dma_wait3A_123, %dma_wait3A_124] : memref<64x128xf32, #tpu.memory_space<vmem>> -> memref<16x128xf32, #tpu.memory_space<vmem>>
    %dma_wait3A_126 = arith.constant 0 : i32
    %dma_wait3A_127 = tpu.memref_slice %arg4[%add3A_62, %dma_wait3A_126] : memref<1024x128xf32, #tpu.memory_space<hbm>> -> memref<16x128xf32, #tpu.memory_space<hbm>>
    %dma_wait3A_128 = arith.constant 0 : i32
    %dma_wait3A_129 = tpu.memref_slice %arg4[%add3A_62, %dma_wait3A_128] : memref<1024x128xf32, #tpu.memory_space<hbm>> -> memref<16x128xf32, #tpu.memory_space<hbm>>
    %dma_wait3A_130 = arith.constant 16 : i32
    %dma_wait3A_131 = arith.constant 0 : i32
    %dma_wait3A_132 = tpu.memref_slice %arg6[%dma_wait3A_130, %dma_wait3A_131] : memref<64x128xf32, #tpu.memory_space<vmem>> -> memref<16x128xf32, #tpu.memory_space<vmem>>
    tpu.wait_dma2 semaphore(%arg12 : memref<!tpu.dma_semaphore, #tpu.memory_space<semaphore_mem>>) src(%dma_wait3A_132 : memref<16x128xf32, #tpu.memory_space<vmem>>) dst(%dma_wait3A_129 : memref<16x128xf32, #tpu.memory_space<hbm>>)
    %dma_wait3A_133 = arith.constant 32 : i32
    %dma_wait3A_134 = arith.constant 0 : i32
    %dma_wait3A_135 = tpu.memref_slice %arg6[%dma_wait3A_133, %dma_wait3A_134] : memref<64x128xf32, #tpu.memory_space<vmem>> -> memref<16x128xf32, #tpu.memory_space<vmem>>
    %dma_wait3A_136 = arith.constant 0 : i32
    %dma_wait3A_137 = tpu.memref_slice %arg4[%add3A_82, %dma_wait3A_136] : memref<1024x128xf32, #tpu.memory_space<hbm>> -> memref<16x128xf32, #tpu.memory_space<hbm>>
    %dma_wait3A_138 = arith.constant 0 : i32
    %dma_wait3A_139 = tpu.memref_slice %arg4[%add3A_82, %dma_wait3A_138] : memref<1024x128xf32, #tpu.memory_space<hbm>> -> memref<16x128xf32, #tpu.memory_space<hbm>>
    %dma_wait3A_140 = arith.constant 32 : i32
    %dma_wait3A_141 = arith.constant 0 : i32
    %dma_wait3A_142 = tpu.memref_slice %arg6[%dma_wait3A_140, %dma_wait3A_141] : memref<64x128xf32, #tpu.memory_space<vmem>> -> memref<16x128xf32, #tpu.memory_space<vmem>>
    tpu.wait_dma2 semaphore(%arg13 : memref<!tpu.dma_semaphore, #tpu.memory_space<semaphore_mem>>) src(%dma_wait3A_142 : memref<16x128xf32, #tpu.memory_space<vmem>>) dst(%dma_wait3A_139 : memref<16x128xf32, #tpu.memory_space<hbm>>)
    %dma_wait3A_143 = arith.constant 48 : i32
    %dma_wait3A_144 = arith.constant 0 : i32
    %dma_wait3A_145 = tpu.memref_slice %arg6[%dma_wait3A_143, %dma_wait3A_144] : memref<64x128xf32, #tpu.memory_space<vmem>> -> memref<16x128xf32, #tpu.memory_space<vmem>>
    %dma_wait3A_146 = arith.constant 0 : i32
    %dma_wait3A_147 = tpu.memref_slice %arg4[%add3A_102, %dma_wait3A_146] : memref<1024x128xf32, #tpu.memory_space<hbm>> -> memref<16x128xf32, #tpu.memory_space<hbm>>
    %dma_wait3A_148 = arith.constant 0 : i32
    %dma_wait3A_149 = tpu.memref_slice %arg4[%add3A_102, %dma_wait3A_148] : memref<1024x128xf32, #tpu.memory_space<hbm>> -> memref<16x128xf32, #tpu.memory_space<hbm>>
    %dma_wait3A_150 = arith.constant 48 : i32
    %dma_wait3A_151 = arith.constant 0 : i32
    %dma_wait3A_152 = tpu.memref_slice %arg6[%dma_wait3A_150, %dma_wait3A_151] : memref<64x128xf32, #tpu.memory_space<vmem>> -> memref<16x128xf32, #tpu.memory_space<vmem>>
    tpu.wait_dma2 semaphore(%arg14 : memref<!tpu.dma_semaphore, #tpu.memory_space<semaphore_mem>>) src(%dma_wait3A_152 : memref<16x128xf32, #tpu.memory_space<vmem>>) dst(%dma_wait3A_149 : memref<16x128xf32, #tpu.memory_space<hbm>>)
    return
  }
}

module attributes {stable_mosaic.version = 14 : i64} {
  func.func @_tc_body(%arg0: i32, %arg1: memref<512x1024xf32, #tpu.memory_space<vmem>>, %arg2: memref<7x1024xf32, #tpu.memory_space<vmem>>, %arg3: memref<1x7xf32, #tpu.memory_space<vmem>>, %arg4: memref<512x7xf32, #tpu.memory_space<vmem>>, %arg5: memref<512xi32, #tpu.memory_space<vmem>>) attributes {dimension_semantics = [#tpu.dimension_semantics<arbitrary>], iteration_bounds = array<i64: 2>, scalar_prefetch = 0 : i64, scratch_operands = 0 : i64, tpu.core_type = #tpu.core_type<tc>, window_params = [{transform_indices = @transform_0, window_bounds = array<i64: 512, 1024>}, {pipeline_mode = #tpu.pipeline_mode<synchronous>, transform_indices = @transform_1, window_bounds = array<i64: 7, 1024>}, {pipeline_mode = #tpu.pipeline_mode<synchronous>, transform_indices = @transform_2, window_bounds = array<i64: 1, 7>}, {transform_indices = @transform_3, window_bounds = array<i64: 512, 7>}, {transform_indices = @transform_4, window_bounds = array<i64: 512>}]} {
    %get3A = arith.constant 0 : index
    %get3A_0 = arith.constant 0 : index
    %get3A_1 = vector.load %arg1[%get3A, %get3A_0] : memref<512x1024xf32, #tpu.memory_space<vmem>>, vector<512x1024xf32>
    %get3A_2 = arith.constant 0 : index
    %get3A_3 = arith.constant 0 : index
    %get3A_4 = vector.load %arg2[%get3A_2, %get3A_3] : memref<7x1024xf32, #tpu.memory_space<vmem>>, vector<7x1024xf32>
    %dot_general3A = arith.constant dense<0.000000e+00> : vector<512x7xf32>
    %dot_general3A_5 = tpu.matmul %get3A_1, %get3A_4, %dot_general3A {dimension_numbers = #tpu.dot_dimension_numbers<[1], [1], [0], [0], [0, 0, 1, 0], [], []>, transpose_lhs_hint = false} : vector<512x1024xf32>, vector<7x1024xf32>, vector<512x7xf32> -> vector<512x7xf32>
    %get3A_6 = arith.constant 0 : index
    %get3A_7 = arith.constant 0 : index
    %get3A_8 = vector.load %arg3[%get3A_6, %get3A_7] : memref<1x7xf32, #tpu.memory_space<vmem>>, vector<1x7xf32>
    %add3A = vector.broadcast %get3A_8 : vector<1x7xf32> to vector<512x7xf32>
    %add3A_9 = arith.addf %dot_general3A_5, %add3A : vector<512x7xf32>
    %max3A = arith.constant 0.000000e+00 : f32
    %max3A_10 = vector.broadcast %max3A : f32 to vector<512x7xf32>
    %max3A_11 = arith.maximumf %add3A_9, %max3A_10 : vector<512x7xf32>
    %swap3A = arith.constant 0 : index
    %swap3A_12 = arith.constant 0 : index
    %swap3A_13 = vector.load %arg4[%swap3A, %swap3A_12] : memref<512x7xf32, #tpu.memory_space<vmem>>, vector<512x7xf32>
    tpu.vector_store %arg4[%swap3A, %swap3A_12], %max3A_11 {strides = array<i32>} : memref<512x7xf32, #tpu.memory_space<vmem>>, vector<512x7xf32>,
    %gt3A = arith.constant 5.000000e-01 : f32
    %gt3A_14 = vector.broadcast %gt3A : f32 to vector<512x7xf32>
    %gt3A_15 = arith.cmpf ogt, %max3A_11, %gt3A_14 : vector<512x7xf32>
    %convert_element_type3A = arith.extui %gt3A_15 : vector<512x7xi1> to vector<512x7xi32>
    %convert_element_type3A_16 = arith.sitofp %convert_element_type3A : vector<512x7xi32> to vector<512x7xf32>
    %iota3A = tpu.iota {dimensions = array<i32: 1>} : vector<1x7xi32>
    %sub3A = arith.constant 6 : i32
    %sub3A_17 = vector.broadcast %sub3A : i32 to vector<1x7xi32>
    %sub3A_18 = arith.subi %sub3A_17, %iota3A : vector<1x7xi32>
    %shift_left3A = arith.constant 1 : i32
    %shift_left3A_19 = vector.broadcast %shift_left3A : i32 to vector<1x7xi32>
    %shift_left3A_20 = arith.shli %shift_left3A_19, %sub3A_18 : vector<1x7xi32>
    %convert_element_type3A_21 = arith.sitofp %shift_left3A_20 : vector<1x7xi32> to vector<1x7xf32>
    %dot_general3A_22 = arith.constant dense<0.000000e+00> : vector<1x512xf32>
    %dot_general3A_23 = tpu.matmul %convert_element_type3A_21, %convert_element_type3A_16, %dot_general3A_22 {dimension_numbers = #tpu.dot_dimension_numbers<[1], [1], [0], [0], [0, 0, 1, 0], [], []>, transpose_lhs_hint = false} : vector<1x7xf32>, vector<512x7xf32>, vector<1x512xf32> -> vector<1x512xf32>
    %convert_element_type3A_24 = arith.fptosi %dot_general3A_23 : vector<1x512xf32> to vector<1x512xi32>
    %reshape3A = vector.shape_cast %convert_element_type3A_24 : vector<1x512xi32> to vector<512xi32>
    %swap3A_25 = arith.constant 0 : index
    %swap3A_26 = vector.load %arg5[%swap3A_25] : memref<512xi32, #tpu.memory_space<vmem>>, vector<512xi32>
    tpu.vector_store %arg5[%swap3A_25], %reshape3A {strides = array<i32>} : memref<512xi32, #tpu.memory_space<vmem>>, vector<512xi32>,
    return
  }
  func.func @transform_0(%arg0: i32) -> (i32, i32) {
    %c0_i32 = arith.constant 0 : i32
    %c0_i32_0 = arith.constant 0 : i32
    return %arg0, %c0_i32 : i32, i32
  }
  func.func @transform_1(%arg0: i32) -> (i32, i32) {
    %c0_i32 = arith.constant 0 : i32
    %c0_i32_0 = arith.constant 0 : i32
    %c0_i32_1 = arith.constant 0 : i32
    return %c0_i32, %c0_i32_0 : i32, i32
  }
  func.func @transform_2(%arg0: i32) -> (i32, i32) {
    %c0_i32 = arith.constant 0 : i32
    %c0_i32_0 = arith.constant 0 : i32
    %c0_i32_1 = arith.constant 0 : i32
    return %c0_i32, %c0_i32_0 : i32, i32
  }
  func.func @transform_3(%arg0: i32) -> (i32, i32) {
    %c0_i32 = arith.constant 0 : i32
    %c0_i32_0 = arith.constant 0 : i32
    return %arg0, %c0_i32 : i32, i32
  }
  func.func @transform_4(%arg0: i32) -> i32 {
    %c0_i32 = arith.constant 0 : i32
    return %arg0 : i32
  }
}

</mosaic_0001>

<sc_bundles>
// kernel: kernel.4.cloned.1.call-start
scs
__scs_entry_jumppad:
0x0: {  	(pc) =	sbr.rel $0x88, $3  }
0x1: {  	(tag) =	ssettag $0x0;
	lr =	simm.s32 $0x1  }
0x2: {  	[smem:$0x3F9D] =	sst lr;
	_ =	strace $0xD0000000  }
0x3: {  	_ = 	snop  }
0x4: {  	_ = 	snop  }
0x5: {  	_ = 	snop  }
0x6: {  	_ = 	snop  }
0x7: {  	_ = 	snop  }
__scs_overlays_trampoline_lowered:
0x8: {  	[smem:$0x3FAC] =	sst s0  }
0x9: {  	[smem:$0x3FAD] =	sst s1  }
0xa: {  	[smem:$0x3FAE] =	sst s2  }
0xb: {  	[smem:$0x3FAF] =	sst s3  }
0xc: {  	[smem:$0x3FB0] =	sst s4  }
0xd: {  	[smem:$0x3FB1] =	sst s5  }
0xe: {  	[smem:$0x3FB2] =	sst s6  }
0xf: {  	[smem:$0x3FB3] =	sst s7  }
0x10: {  	[smem:$0x3FB4] =	sst s8  }
0x11: {  	[smem:$0x3FB5] =	sst s9;
	s0 =	simm.s32 @!p0 $0x0  }
0x12: {  	s1 =	sld [smem:$0x3F9B];
	s0 =	simm.s32 @p0 $0x1  }
0x13: {  	[smem:$0x3FB6] =	sst s0;
	s0 =	simm.s32 @!p1 $0x0  }
0x14: {  	s2 =	sld [smem:$0x3F9A];
	s0 =	simm.s32 @p1 $0x1  }
0x15: {  	[smem:$0x3FB7] =	sst s0;
	s0 =	simm.s32 @!p2 $0x0  }
0x16: {  	s3 =	sld [smem:$0x3FDB];
	s0 =	simm.s32 @p2 $0x1  }
0x17: {  	s4 =	simm.s32 $0x1BF5;
	[smem:$0x3FB9] =	sst s0  }
0x18: {  	s0 =	sld [smem:$0x3F9C];
	_ =	swait.ge [sflag:s4], $0x0  }
0x19: {  	s7 =	sld [smem:$0x3F9D]  }
0x1a: {  	s8 =	sadd.s32 $0xFFFFE003, lr  }
0x1b: {  	s9 =	sadd.s32 $0xFFFFFEF7, lr;
	s5 =	simm.s32 $0xFFFFFFFF;
	p2 =	slt.u32 s8, $0xFFFFF086  }
0x1c: {  	p1 =	slt.u32 s9, $0xF7A;
	s5 =	simm.s32 @!p2 $0x0  }
0x1d: {  	s5 =	simm.s32 @p1 $0x1;
	p0 =	seq.s32 s7, s2  }
0x1e: {  	s7 =	smul.u32 @!p0 $0xF7A, s2;
	p2 =	seq.s32 @!p0 s5, $0x0  }
0x1f: {  	s9 =	smul.u32 $0xF7A, s1;
	s8 =	simm.s32 @!p0 $0x1BF5;
	p2 =	por !p2, p0  }
0x20: {  	[sflag:s8] =	ssyncset.s32 @!p0 $0xFFFFF086;
	s6 =	sadd.s32 @!p0 s3, s7;
	s7 =	simm.s32 @!p0 $0x108  }
0x21: {  	s3 =	sadd.s32 s3, s9;
	s6 =	sadd.s32 @!p0 $0x88, s6;
	s7 =	simm.s32 @p2 $0x1082  }
0x22: {  	[simem:s7], [sflag:s8] =	dma.local @!p0 [hbm:s6], $0xF7A  }
0x23: {  	s9 =	sor.u32 $0xD0000000, s2;
	s6 =	simm.s32 $0x108;
	_ =	swait.ge @!p0 [sflag:s8], $0x0  }
0x24: {  	s3 =	sadd.s32 $0x88, s3;
	s6 =	simm.s32 @!p1 $0x1082;
	[sflag:s4] =	ssyncset.s32 $0xFFFFF086  }
0x25: {  	[simem:s6], [sflag:s4] =	dma.local [hbm:s3], $0xF7A  }
0x26: {  	[smem:$0x3F9D] =	sst s1;
	(tag) =	ssettag s2;
	_ =	strace s9  }
0x27: {  	s1 =	sld [smem:$0x3FAD]  }
0x28: {  	s2 =	sld [smem:$0x3FAE]  }
0x29: {  	s4 =	sld [smem:$0x3FB0]  }
0x2a: {  	p0 =	seq.s32 s5, $0x0;
	s5 =	sld [smem:$0x3FB1]  }
0x2b: {  	s6 =	sld [smem:$0x3FB2]  }
0x2c: {  	s7 =	sld [smem:$0x3FB3]  }
0x2d: {  	s3 =	simm.s32 $0x108;
	s8 =	sld [smem:$0x3FB4]  }
0x2e: {  	s3 =	simm.s32 @!p0 $0x1082;
	s9 =	sld [smem:$0x3FB5]  }
0x2f: {  	lr =	sadd.s32 s0, s3;
	s0 =	sld [smem:$0x3FAC]  }
0x30: {  	s3 =	sld [smem:$0x3FAF]  }
0x31: {  	[smem:$0x3FB8] =	sst s10  }
0x32: {  	s10 =	sld [smem:$0x3FB6];
	_ =	sdelay $0x3  }
0x33: {  	p0 =	seq.s32 s10, $0x1;
	s10 =	sld [smem:$0x3FB8];
	_ =	sdelay $0x3  }
0x34: {  	[smem:$0x3FB8] =	sst s10  }
0x35: {  	s10 =	sld [smem:$0x3FB7];
	_ =	sdelay $0x3  }
0x36: {  	p1 =	seq.s32 s10, $0x1;
	s10 =	sld [smem:$0x3FB8];
	_ =	sdelay $0x3  }
0x37: {  	[smem:$0x3FB8] =	sst s10  }
0x38: {  	s10 =	sld [smem:$0x3FB9]  }
0x39: {  	_ = 	snop;
	(pc) =	sbr.ind lr, $3  }
0x3a: {  	_ = 	snop  }
0x3b: {  	_ = 	snop  }
0x3c: {  	p2 =	seq.s32 s10, $0x1;
	s10 =	sld [smem:$0x3FB8]  }
0x3d: {  	_ =	shalt  }
0x3e: {  	_ =	shalt  }
0x3f: {  	_ =	shalt  }
0x40: {  	_ =	shalt  }
0x41: {  	_ =	shalt  }
0x42: {  	_ =	shalt  }
0x43: {  	_ =	shalt  }
0x44: {  	_ =	shalt  }
0x45: {  	_ =	shalt  }
0x46: {  	_ =	shalt  }
0x47: {  	_ =	shalt  }
0x48: {  	_ =	shalt  }
0x49: {  	_ =	shalt  }
0x4a: {  	_ =	shalt  }
0x4b: {  	_ =	shalt  }
0x4c: {  	_ =	shalt  }
0x4d: {  	_ =	shalt  }
0x4e: {  	_ =	shalt  }
0x4f: {  	_ =	shalt  }
0x50: {  	_ =	shalt  }
0x51: {  	_ =	shalt  }
0x52: {  	_ =	shalt  }
0x53: {  	_ =	shalt  }
0x54: {  	_ =	shalt  }
0x55: {  	_ =	shalt  }
0x56: {  	_ =	shalt  }
0x57: {  	_ =	shalt  }
0x58: {  	_ =	shalt  }
0x59: {  	_ =	shalt  }
0x5a: {  	_ =	shalt  }
0x5b: {  	_ =	shalt  }
0x5c: {  	_ =	shalt  }
0x5d: {  	_ =	shalt  }
0x5e: {  	_ =	shalt  }
0x5f: {  	_ =	shalt  }
0x60: {  	_ =	shalt  }
0x61: {  	_ =	shalt  }
0x62: {  	_ =	shalt  }
0x63: {  	_ =	shalt  }
0x64: {  	_ =	shalt  }
0x65: {  	_ =	shalt  }
0x66: {  	_ =	shalt  }
0x67: {  	_ =	shalt  }
0x68: {  	_ =	shalt  }
0x69: {  	_ =	shalt  }
0x6a: {  	_ =	shalt  }
0x6b: {  	_ =	shalt  }
0x6c: {  	_ =	shalt  }
0x6d: {  	_ =	shalt  }
0x6e: {  	_ =	shalt  }
0x6f: {  	_ =	shalt  }
0x70: {  	_ =	shalt  }
0x71: {  	_ =	shalt  }
0x72: {  	_ =	shalt  }
0x73: {  	_ =	shalt  }
0x74: {  	_ =	shalt  }
0x75: {  	_ =	shalt  }
0x76: {  	_ =	shalt  }
0x77: {  	_ =	shalt  }
0x78: {  	_ =	shalt  }
0x79: {  	_ =	shalt  }
0x7a: {  	_ =	shalt  }
0x7b: {  	_ =	shalt  }
0x7c: {  	_ =	shalt  }
0x7d: {  	_ =	shalt  }
0x7e: {  	_ =	shalt  }
0x7f: {  	_ =	shalt  }
0x80: {  	_ =	shalt  }
0x81: {  	_ =	shalt  }
0x82: {  	_ =	shalt  }
0x83: {  	_ =	shalt  }
0x84: {  	_ =	shalt  }
0x85: {  	_ =	shalt  }
0x86: {  	_ =	shalt  }
0x87: {  	_ =	shalt  }
.Lfunc_end0:
.L_simem_size_0:
called_computation_lowered:
.L_overlay_start_0:
0x88: {  	s0 =	sld [smem:$0x3FD9]  }
0x89: {  	s1 =	sld [smem:$0x3FFE];
	_ =	sdelay $0x3  }
0x8a: {  	s0 =	sadd.s32 s1, s0  }
0x8b: {  	[smem:$0x3FC4] =	sst s0  }
0x8c: {  	_ = 	snop  }
0x8d: {  	s0 =	sld [smem:$0x3FD0];
	_ =	sdelay $0x2  }
0x8e: {  	s2 =	simm.s32 $0xA;
	s3 =	simm.s32 $0x10;
	s13 =	sld [smem:$0x3FC6]  }
0x8f: {  	[smem:s3], [sflag:s2] =	dma.local [hbm:s0], $0x1  }
0x90: {  	_ =	swait.eq [sflag:s2], $0x1  }
0x91: {  	[sflag:s2] =	ssyncset.done $0x0  }
0x92: {  	[sflag:s2] =	ssyncadd.s32 $0xFFFFFFFF  }
0x93: {  	s14 =	sld [smem:$0x10];
	(tm) =	ssettm $0x1  }
0x94: {  	s15 =	sld [smem:$0x3FFB];
	_ =	sdelay $0x3  }
0x95: {  	_ =	strace s15  }
0x96: {  	s2 =	sld [smem:$0x3FFC];
	_ =	sdelay $0x3  }
0x97: {  	_ =	strace s2  }
0x98: {  	s2 =	sld [smem:$0x3FFD];
	_ =	sdelay $0x3  }
0x99: {  	_ =	strace s2  }
0x9a: {  	_ =	strace $0x8FFFFFFF  }
0x9b: {  	s16 =	sld [smem:$0x3FDB];
	_ =	sdelay $0x1  }
0x9c: {  	s17 =	simm.s32 $_scs_section_size  }
0x9d: {  	s4 =	simm.s32 $_size__tile_overlayer_lowered;
	s5 =	simm.s32 $_tile_overlayer_lowered  }
0x9e: {  	s20 =	simm.s32 $0x1BFF;
	s19 =	sshll.u32 s5, $0x1;
	s2 =	sadd.s32 s17, s16  }
0x9f: {  	s6 =	simm.s32 $0x0;
	s18 =	sshll.u32 s4, $0x1;
	s4 =	sadd.s32 s19, s2  }
0xa0: {  	[timem:s6], [sflag:s20] =	dma.local [hbm:s4], s18  }
0xa1: {  	_ =	swait.ge [sflag:s20], s18  }
0xa2: {  	s3 =	ssub.s32 $0x0, s18;
	[sflag:s20] =	ssyncset.done $0x0  }
0xa3: {  	[sflag:s20] =	ssyncadd.s32 s3;
	_ =	sdelay $0x1  }
0xa4: {  	s21 =	simm.s32 $0x1B8B  }
0xa5: {  	_ =	swait.ge [sflag:s21], $0x1  }
0xa6: {  	[sflag:s21] =	ssyncset.done $0x0  }
0xa7: {  	s23 =	simm.s32 $0x1B8E;
	s22 =	sld [smem:$0x3FFE];
	[sflag:s21] =	ssyncadd.s32 $0xFFFFFFFF  }
0xa8: {  	s24 =	simm.s32 $execute0_lowered;
	[smem:$0x3FD2] =	sst s23  }
0xa9: {  	s4 =	sshll.u32 s24, $0x1;
	_ =	strace $0x80000046;
	[dreg:$0x1] =	wrdreg $0xFFFFFFFF  }
0xaa: {  	s25 =	simm.s32 $_size_execute0_lowered;
	s2 =	sadd.s32 s2, s4;
	[dreg:$0x0] =	wrdreg $0x0  }
0xab: {  	s4 =	sshll.u32 s25, $0x1;
	[dreg:$0x2] =	wrdreg s2  }
0xac: {  	[dreg:$0x3] =	wrdreg s4  }
0xad: {  	[dreg:$0x4] =	wrdreg $0xC0  }
0xae: {  	_ =	task [dreg:s6], $0x5FFFF  }
0xaf: {  	[dreg:$0x1] =	wrdreg $0xFFFFFFFF  }
0xb0: {  	[dreg:$0x0] =	wrdreg $0x60  }
0xb1: {  	[dreg:$0x2] =	wrdreg s22  }
0xb2: {  	[dreg:$0x3] =	wrdreg s13  }
0xb3: {  	[dreg:$0x4] =	wrdreg s14  }
0xb4: {  	[dreg:$0x5] =	wrdreg $0x9  }
0xb5: {  	_ =	task.clear_ibuf [dreg:s6], $0x6FFFF;
	_ =	strace $0x90000046  }
0xb6: {  	s26 =	simm.s32 $0x9;
	_ =	strace $0x80000048  }
0xb7: {  	_ =	swait.ge [sflag:s26], $0x1  }
0xb8: {  	[sflag:s26] =	ssyncadd.s32 $0xFFFFFFFF  }
0xb9: {  	_ =	strace $0x90000048  }
0xba: {  	_ =	sfence  }
0xbb: {  	s28 =	sld [smem:$0x0];
	_ =	sdelay $0x1  }
0xbc: {  	s29 =	srdreg.scid  }
0xbd: {  	s30 =	sshll.u32 s29, $0xD;
	s31 =	sshrl.u32 s29, $0x2  }
0xbe: {  	s1 =	sand.u32 $0x1, s29;
	s2 =	sand.u32 $0x4000, s30;
	s0 =	sadd.s32 s31, s28  }
0xbf: {  	s1 =	sor.u32 s2, s1;
	s0 =	sshll.u32 s0, $0x11  }
0xc0: {  	s0 =	sor.u32 s0, s1  }
0xc1: {  	s0 =	sadd.s32 $0x8F2B, s0  }
0xc2: {  	[sflag:s0] =	ssyncadd.remote.s32 $0x1  }
0xc3: {  	_ =	sfence.sel $0xFFFF  }
0xc4: {  	[dreg:$0x0] =	wrdreg $0xFFFFFFFF;
	(pc) =	sbr.abs _section_cstart, $3  }
0xc5: {  	[dreg:$0x1] =	wrdreg $0xFFFFFFFF  }
0xc6: {  	_ =	task.clear_ibuf [dreg:s6], $0x2FFFF;
	_ =	strace $0x9FFFFFFF  }
0xc7: {  	(tm) =	ssettm $0x7FFFFFFF  }
tec
execute0_lowered:
.L_overlay_start_1:
0x0: {  	(tag) =	ssettag $0x1  }
0x1: {  	s2 =	rddreg [dreg:$0x0]  }
0x2: {  	s3 =	rddreg [dreg:$0x1]  }
0x3: {  	s4 =	rddreg [dreg:$0x2];
	s1 =	stileid.u32  }
0x4: {  	s0 =	rddreg [dreg:$0x3];
	s5 =	simm.s32 $0x0;
	s6 =	sshll.u32 s1, $0x3  }
0x5: {  	[smem:$0x7FF] =	sst s5;
	s2 =	sadd.s32 s6, s2  }
0x6: {  	s17 =	simm.s32 $0x9;
	_ =	strace $0x80000047;
	s2 =	sadd.s32 $0xE00, s2  }
0x7: {  	[tilespmem:s5], [sflag:$0x9] =	stream.linear.gather [hbm4b:s2+s5], $0x40, $0x38;
	[tilespmem:$0x2080] =	vst v63  }
0x8: {  	_ =	swait.ge [sflag:s17], $0x40  }
0x9: {  	[sflag:s17] =	ssyncset.done $0x0  }
0xa: {  	s18 =	simm.s32 $0x10;
	s19 =	simm.s32 $0x80;
	[sflag:s17] =	ssyncadd.s32 $0xFFFFFFC0  }
0xb: {  	[tilespmem:s19], [sflag:$0x1] =	stream.indirect.gather [hbm4b:s3+s18], $0x80, s5, s18, $0xb8;
	[tilespmem:$0x2080] =	vst v63  }
0xc: {  	s7 =	simm.s32 $0x880  }
0xd: {  	[tilespmem:s7], [sflag:$0x2] =	stream.indirect.gather [hbm4b:s3+s18], $0x80, s18, s18, $0xb8;
	[tilespmem:$0x2080] =	vst v63  }
0xe: {  	s8 =	simm.s32 $0x20;
	s9 =	simm.s32 $0x1080  }
0xf: {  	[tilespmem:s9], [sflag:$0x3] =	stream.indirect.gather [hbm4b:s3+s18], $0x80, s8, s18, $0xb8;
	[tilespmem:$0x2080] =	vst v63  }
0x10: {  	s20 =	simm.s32 $0x30;
	s10 =	simm.s32 $0x1880;
	s21 =	simm.s32 $0x1  }
0x11: {  	[tilespmem:s10], [sflag:$0x4] =	stream.indirect.gather [hbm4b:s3+s18], $0x80, s20, s18, $0xb8;
	[tilespmem:$0x2080] =	vst v63  }
0x12: {  	_ =	swait.ge [sflag:s21], $0x800  }
0x13: {  	s22 =	sshll.u32 s1, $0xA;
	[sflag:s21] =	ssyncset.done $0x0  }
0x14: {  	s23 =	simm.s32 $0x2;
	s3 =	sadd.s32 s4, s22;
	[sflag:s21] =	ssyncadd.s32 $0xFFFFF800  }
0x15: {  	[hbm4b:s3+s5] =	stream.linear.scatter [tilespmem:s19], [sflag:$0x5], $0x800, $0x38;
	[tilespmem:$0x2080] =	vst v63  }
0x16: {  	_ =	swait.ge [sflag:s23], $0x800  }
0x17: {  	[sflag:s23] =	ssyncset.done $0x0  }
0x18: {  	s24 =	simm.s32 $0x3;
	s4 =	sadd.s32 $0x100, s3;
	[sflag:s23] =	ssyncadd.s32 $0xFFFFF800  }
0x19: {  	[hbm4b:s4+s5] =	stream.linear.scatter [tilespmem:s7], [sflag:$0x6], $0x800, $0x38;
	[tilespmem:$0x2080] =	vst v63  }
0x1a: {  	_ =	swait.ge [sflag:s24], $0x800  }
0x1b: {  	[sflag:s24] =	ssyncset.done $0x0  }
0x1c: {  	s26 =	simm.s32 $0x4;
	s25 =	sadd.s32 $0x200, s3;
	[sflag:s24] =	ssyncadd.s32 $0xFFFFF800  }
0x1d: {  	[hbm4b:s25+s5] =	stream.linear.scatter [tilespmem:s9], [sflag:$0x7], $0x800, $0x38;
	[tilespmem:$0x2080] =	vst v63  }
0x1e: {  	_ =	swait.ge [sflag:s26], $0x800  }
0x1f: {  	[sflag:s26] =	ssyncset.done $0x0  }
0x20: {  	s28 =	simm.s32 $0x5;
	s3 =	sadd.s32 $0x300, s3;
	[sflag:s26] =	ssyncadd.s32 $0xFFFFF800  }
0x21: {  	[hbm4b:s3+s5] =	stream.linear.scatter [tilespmem:s10], [sflag:$0x8], $0x800, $0x38;
	[tilespmem:$0x2080] =	vst v63  }
0x22: {  	_ =	swait.ge [sflag:s28], $0x800  }
0x23: {  	[sflag:s28] =	ssyncset.done $0x0  }
0x24: {  	s29 =	simm.s32 $0x6;
	[sflag:s28] =	ssyncadd.s32 $0xFFFFF800  }
0x25: {  	_ =	swait.ge [sflag:s29], $0x800  }
0x26: {  	[sflag:s29] =	ssyncset.done $0x0  }
0x27: {  	s30 =	simm.s32 $0x7;
	[sflag:s29] =	ssyncadd.s32 $0xFFFFF800  }
0x28: {  	_ =	swait.ge [sflag:s30], $0x800  }
0x29: {  	[sflag:s30] =	ssyncset.done $0x0  }
0x2a: {  	s31 =	simm.s32 $0x8;
	[sflag:s30] =	ssyncadd.s32 $0xFFFFF800  }
0x2b: {  	_ =	swait.ge [sflag:s31], $0x800  }
0x2c: {  	[sflag:s31] =	ssyncset.done $0x0  }
0x2d: {  	[sflag:s31] =	ssyncadd.s32 $0xFFFFF800  }
0x2e: {  	_ =	sfence.sel $0x180000  }
0x2f: {  	[bflag:$0x0] =	sbarrier.arrive $0xFFFF  }
0x30: {  	p0 =	sne.s32 s1, $0x0;
	_ =	strace $0x90000047  }
0x31: {  	s0 =	sadd.s32 @!p0 $0x100000, s0;
	[bflag:$0x2] =	sbarrier.arrive $0xFFFF  }
0x32: {  	[sflag:s0] =	ssyncadd.tile.s32 @!p0 $0x1;
	_ =	shalt  }
.Lfunc_end2:
_tile_overlayer_lowered:
.L_overlay_start_2:
0x33: {  	(tag) =	ssettag $0x2  }
0x34: {  	s0 =	rddreg [dreg:$0x0];
	s2 =	stileid.u32  }
0x35: {  	s1 =	rddreg [dreg:$0x1];
	p0 =	sne.s32 s2, $0x0  }
0x36: {  	s3 =	rddreg [dreg:$0x2];
	[bflag:$0x3] =	sbarrier.arrive $0xFFFF;
	s2 =	simm.s32 @!p0 $0x1C09  }
0x37: {  	[timem:s3], [sflag:s2] =	dma.local @!p0 [hbm:s0], s1  }
0x38: {  	s0 =	simm.s32 @!p0 $0x9  }
0x39: {  	_ =	swait.ge @!p0 [sflag:s0], s1  }
0x3a: {  	s1 =	ssub.s32 @!p0 $0x0, s1;
	[sflag:s0] =	ssyncset.done @!p0 $0x0  }
0x3b: {  	[sflag:s0] =	ssyncadd.s32 @!p0 s1  }
0x3c: {  	[bflag:$0x3] =	sbarrier.arrive $0xFFFF  }
0x3d: {  	_ =	shalt  }

</sc_bundles>
